<compile_context>
chip_gen: v7x
topology: tpu7x:2x2x1
jax: 0.10.2.dev20260603
libtpu: 0.0.44.dev20260713+nightly
codegen_flags: <defaults>
</compile_context>

<pallas_src>
import functools

import jax
import jax.numpy as jnp
from jax import lax
from jax.experimental import pallas as pl
from jax.experimental.pallas import tpu as pltpu
from jax.experimental.pallas import tpu_sc as plsc

_D = 128
_B = 1024
_FEW = 5
_N_ENT = _B * _FEW * 2
_N_TEM = 366

_info = plsc.get_sparse_core_info()
_NC, _NS = _info.num_cores, _info.num_subcores
_NW = _NC * _NS
_ENT_W = _N_ENT // _NW
_ENT_B = _ENT_W // (_FEW * 2)

_mesh = plsc.VectorSubcoreMesh(core_axis_name="c", subcore_axis_name="s")


@functools.partial(
    pl.kernel,
    mesh=_mesh,
    out_type=jax.ShapeDtypeStruct((_B, _FEW, 2, _D), jnp.float32),
    scratch_types=[
        pltpu.VMEM((_ENT_W,), jnp.int32),
        pltpu.VMEM((_ENT_W, _D), jnp.float32),
        pltpu.SemaphoreType.DMA,
    ],
)
def _ent_gather(ent_hbm, idx_hbm, out_a, idx_v, rows_v, sem):
    wid = lax.axis_index("s") * _NC + lax.axis_index("c")
    pltpu.sync_copy(idx_hbm.at[pl.ds(wid * _ENT_W, _ENT_W)], idx_v)
    pltpu.async_copy(ent_hbm.at[idx_v], rows_v, sem).wait()
    pltpu.sync_copy(rows_v.reshape(_ENT_B, _FEW, 2, _D),
                    out_a.at[pl.ds(wid * _ENT_B, _ENT_B)])


_TC_BLK = 512


def _tem_body(idx_ref, tem_ref, out_ref):
    table = tem_ref[...]
    t_hi = table.astype(jnp.bfloat16)
    t_lo = (table - t_hi.astype(jnp.float32)).astype(jnp.bfloat16)
    for f in range(_FEW):
        col = idx_ref[:, f]
        onehot = (lax.broadcasted_iota(jnp.int32, (_TC_BLK, _N_TEM), 1)
                  == col[:, None]).astype(jnp.bfloat16)
        out_ref[:, f, :] = (
            jnp.dot(onehot, t_hi, preferred_element_type=jnp.float32)
            + jnp.dot(onehot, t_lo, preferred_element_type=jnp.float32))


_tem_lookup = pl.pallas_call(
    _tem_body,
    grid=(_B // _TC_BLK,),
    in_specs=[
        pl.BlockSpec((_TC_BLK, _FEW), lambda i: (i, 0)),
        pl.BlockSpec((_N_TEM, _D), lambda i: (0, 0)),
    ],
    out_specs=pl.BlockSpec((_TC_BLK, _FEW, _D), lambda i: (i, 0, 0)),
    out_shape=jax.ShapeDtypeStruct((_B, _FEW, _D), jnp.float32),
)


def kernel(idx, idx_tem, ent_emb, tem_emb):
    a = _ent_gather(ent_emb, idx.reshape(-1).astype(jnp.int32))
    b = _tem_lookup(idx_tem.astype(jnp.int32), tem_emb)
    return (a, b)

# --- scband reference (transcript-rebuilt; emitter-appended) ---
"""Pipeline reference for scband-embedding-37572373906122 (READ-ONLY COPY).

The authoritative reference and input builder live on the scoring server;
editing this copy changes nothing except your own understanding.
"""

import jax, jax.numpy as jnp
import numpy as np

NUM_ENT = 100000
TEM_TOTAL = 366
EMBED_DIM = 128
BATCH = 1024
FEW = 5


def setup_inputs(seed: int = 0) -> dict:
    key = jax.random.key(seed)
    k1, k2, k3, k4 = jax.random.split(key, 4)
    # idx[b, f] = (head_entity_id, tail_entity_id) per triple
    idx = jax.random.randint(k1, (BATCH, FEW, 2), 0, NUM_ENT, dtype=jnp.int64)
    # idx_tem[b, f] = temporal id per triple
    idx_tem = jax.random.randint(k2, (BATCH, FEW), 0, TEM_TOTAL, dtype=jnp.int64)
    # learned parameters: entity embedding table (xavier-uniform as in In-Train branch)
    limit = float(np.sqrt(6.0 / (NUM_ENT + EMBED_DIM)))
    ent_emb = jax.random.uniform(k3, (NUM_ENT, EMBED_DIM), dtype=jnp.float32, minval=-limit, maxval=limit)
    # temporal embedding table (copied from dataset['tem2emb'] in original; random stand-in)
    tem_emb = jax.random.normal(k4, (TEM_TOTAL, EMBED_DIM), dtype=jnp.float32)
    return {"idx": idx, "idx_tem": idx_tem, "ent_emb": ent_emb, "tem_emb": tem_emb}


def reference(idx, idx_tem, ent_emb, tem_emb):
    # Original forward: map triples -> integer ids (done here in setup), then
    # a = self.embedding(idx); b = self.tem_embeddings(idx_tem)
    a = jnp.take(ent_emb, idx, axis=0)      # [B, FEW, 2, D]
    b = jnp.take(tem_emb, idx_tem, axis=0)  # [B, FEW, D]
    return (a, b)

if __name__ == "__main__":
    import jax
    _d = setup_inputs()
    print(jax.jit(kernel)(*tuple(_d.values())))

</pallas_src>

<mosaic_0001>
#map = affine_map<(d0, d1) -> (0, 0)>
#map1 = affine_map<(d0, d1) -> (0)>
#map2 = affine_map<(d0, d1) -> (0, 0, 0, 0)>
module attributes {stable_mosaic.version = 14 : i64} {
  func.func @_ent_gather(%arg0: i32, %arg1: i32, %arg2: memref<100000x128xf32, #tpu.memory_space<hbm>>, %arg3: memref<10240xi32, #tpu.memory_space<hbm>>, %arg4: memref<1024x5x2x128xf32, #tpu.memory_space<hbm>>, %arg5: memref<320xi32, #tpu.memory_space<vmem>>, %arg6: memref<320x128xf32, #tpu.memory_space<vmem>>, %arg7: memref<!tpu.dma_semaphore, #tpu.memory_space<semaphore_mem>>) attributes {dimension_semantics = [#tpu.dimension_semantics<core_parallel>, #tpu.dimension_semantics<subcore_parallel>], iteration_bounds = array<i64: 2, 16>, scalar_prefetch = 0 : i64, scratch_operands = 3 : i64, tpu.core_type = #tpu.core_type<sc_vector_subcore>, window_params = [{transform_indices = #map}, {transform_indices = #map1}, {transform_indices = #map2}]} {
    %mul3A = arith.constant 2 : i32
    %mul3A_0 = arith.muli %arg1, %mul3A : i32
    %add3A = arith.addi %mul3A_0, %arg0 : i32
    %mul3A_1 = arith.constant 320 : i32
    %mul3A_2 = arith.muli %add3A, %mul3A_1 : i32
    "tpu.region"() ({
      %run_scoped3A = tpu.sem_alloc : memref<!tpu.dma_semaphore, #tpu.memory_space<semaphore_mem>>
      %dma_start3A_9 = tpu.memref_slice %arg3[%mul3A_2] : memref<10240xi32, #tpu.memory_space<hbm>> -> memref<320xi32, #tpu.memory_space<hbm>>
      %dma_start3A_10 = tpu.memref_slice %arg3[%mul3A_2] : memref<10240xi32, #tpu.memory_space<hbm>> -> memref<320xi32, #tpu.memory_space<hbm>>
      tpu.enqueue_dma source(%dma_start3A_10 : memref<320xi32, #tpu.memory_space<hbm>>) target(%arg5 : memref<320xi32, #tpu.memory_space<vmem>>) target_semaphore(%run_scoped3A : memref<!tpu.dma_semaphore, #tpu.memory_space<semaphore_mem>>)
      %dma_wait3A_11 = tpu.memref_slice %arg3[%mul3A_2] : memref<10240xi32, #tpu.memory_space<hbm>> -> memref<320xi32, #tpu.memory_space<hbm>>
      %dma_wait3A_12 = tpu.memref_slice %arg3[%mul3A_2] : memref<10240xi32, #tpu.memory_space<hbm>> -> memref<320xi32, #tpu.memory_space<hbm>>
      tpu.wait_dma2 semaphore(%run_scoped3A : memref<!tpu.dma_semaphore, #tpu.memory_space<semaphore_mem>>) src(%dma_wait3A_12 : memref<320xi32, #tpu.memory_space<hbm>>) dst(%arg5 : memref<320xi32, #tpu.memory_space<vmem>>)
      tpu.yield
    }) : () -> ()
    %dma_start3A = arith.constant 0 : i32
    %dma_start3A_3 = arith.constant 0 : i32
    %dma_start3A_4 = tpu.memref_slice %arg2[%dma_start3A, %dma_start3A_3] : memref<100000x128xf32, #tpu.memory_space<hbm>> -> memref<100000x128xf32, #tpu.memory_space<hbm>>
    tpu.enqueue_indirect_dma source(%dma_start3A_4 : memref<100000x128xf32, #tpu.memory_space<hbm>>) target(%arg6 : memref<320x128xf32, #tpu.memory_space<vmem>>) offsets(%arg5 : memref<320xi32, #tpu.memory_space<vmem>>) semaphore(%arg7 : memref<!tpu.dma_semaphore, #tpu.memory_space<semaphore_mem>>)
    %dma_wait3A = arith.constant 0 : i32
    %dma_wait3A_5 = arith.constant 0 : i32
    %dma_wait3A_6 = tpu.memref_slice %arg2[%dma_wait3A, %dma_wait3A_5] : memref<100000x128xf32, #tpu.memory_space<hbm>> -> memref<100000x128xf32, #tpu.memory_space<hbm>>
    tpu.wait_indirect_dma semaphore(%arg7 : memref<!tpu.dma_semaphore, #tpu.memory_space<semaphore_mem>>) src(%dma_wait3A_6 : memref<100000x128xf32, #tpu.memory_space<hbm>>) dst(%arg6 : memref<320x128xf32, #tpu.memory_space<vmem>>)
    %mul3A_7 = arith.constant 32 : i32
    %mul3A_8 = arith.muli %add3A, %mul3A_7 : i32
    "tpu.region"() ({
      %run_scoped3A = tpu.sem_alloc : memref<!tpu.dma_semaphore, #tpu.memory_space<semaphore_mem>>
      %dma_start3A_9 = tpu.memref_reshape %arg6 : memref<320x128xf32, #tpu.memory_space<vmem>> -> memref<32x5x2x128xf32, #tpu.memory_space<vmem>>
      %dma_start3A_10 = arith.constant 0 : i32
      %dma_start3A_11 = arith.constant 0 : i32
      %dma_start3A_12 = arith.constant 0 : i32
      %dma_start3A_13 = tpu.memref_slice %arg4[%mul3A_8, %dma_start3A_10, %dma_start3A_11, %dma_start3A_12] : memref<1024x5x2x128xf32, #tpu.memory_space<hbm>> -> memref<32x5x2x128xf32, #tpu.memory_space<hbm>>
      %dma_start3A_14 = arith.constant 0 : i32
      %dma_start3A_15 = arith.constant 0 : i32
      %dma_start3A_16 = arith.constant 0 : i32
      %dma_start3A_17 = tpu.memref_slice %arg4[%mul3A_8, %dma_start3A_14, %dma_start3A_15, %dma_start3A_16] : memref<1024x5x2x128xf32, #tpu.memory_space<hbm>> -> memref<32x5x2x128xf32, #tpu.memory_space<hbm>>
      %dma_start3A_18 = tpu.memref_reshape %arg6 : memref<320x128xf32, #tpu.memory_space<vmem>> -> memref<32x5x2x128xf32, #tpu.memory_space<vmem>>
      tpu.enqueue_dma source(%dma_start3A_18 : memref<32x5x2x128xf32, #tpu.memory_space<vmem>>) target(%dma_start3A_17 : memref<32x5x2x128xf32, #tpu.memory_space<hbm>>) target_semaphore(%run_scoped3A : memref<!tpu.dma_semaphore, #tpu.memory_space<semaphore_mem>>)
      %dma_wait3A_19 = tpu.memref_reshape %arg6 : memref<320x128xf32, #tpu.memory_space<vmem>> -> memref<32x5x2x128xf32, #tpu.memory_space<vmem>>
      %dma_wait3A_20 = arith.constant 0 : i32
      %dma_wait3A_21 = arith.constant 0 : i32
      %dma_wait3A_22 = arith.constant 0 : i32
      %dma_wait3A_23 = tpu.memref_slice %arg4[%mul3A_8, %dma_wait3A_20, %dma_wait3A_21, %dma_wait3A_22] : memref<1024x5x2x128xf32, #tpu.memory_space<hbm>> -> memref<32x5x2x128xf32, #tpu.memory_space<hbm>>
      %dma_wait3A_24 = arith.constant 0 : i32
      %dma_wait3A_25 = arith.constant 0 : i32
      %dma_wait3A_26 = arith.constant 0 : i32
      %dma_wait3A_27 = tpu.memref_slice %arg4[%mul3A_8, %dma_wait3A_24, %dma_wait3A_25, %dma_wait3A_26] : memref<1024x5x2x128xf32, #tpu.memory_space<hbm>> -> memref<32x5x2x128xf32, #tpu.memory_space<hbm>>
      %dma_wait3A_28 = tpu.memref_reshape %arg6 : memref<320x128xf32, #tpu.memory_space<vmem>> -> memref<32x5x2x128xf32, #tpu.memory_space<vmem>>
      tpu.wait_dma2 semaphore(%run_scoped3A : memref<!tpu.dma_semaphore, #tpu.memory_space<semaphore_mem>>) src(%dma_wait3A_28 : memref<32x5x2x128xf32, #tpu.memory_space<vmem>>) dst(%dma_wait3A_27 : memref<32x5x2x128xf32, #tpu.memory_space<hbm>>)
      tpu.yield
    }) : () -> ()
    return
  }
}

module attributes {stable_mosaic.version = 14 : i64} {
  func.func @_tem_body(%arg0: i32, %arg1: memref<512x5xi32, #tpu.memory_space<vmem>>, %arg2: memref<366x128xf32, #tpu.memory_space<vmem>>, %arg3: memref<512x5x128xf32, #tpu.memory_space<vmem>>) attributes {dimension_semantics = [#tpu.dimension_semantics<arbitrary>], iteration_bounds = array<i64: 2>, scalar_prefetch = 0 : i64, scratch_operands = 0 : i64, tpu.core_type = #tpu.core_type<tc>, window_params = [{transform_indices = @transform_0, window_bounds = array<i64: 512, 5>}, {pipeline_mode = #tpu.pipeline_mode<synchronous>, transform_indices = @transform_1, window_bounds = array<i64: 366, 128>}, {transform_indices = @transform_2, window_bounds = array<i64: 512, 5, 128>}]} {
    %get3A = arith.constant 0 : index
    %get3A_0 = arith.constant 0 : index
    %get3A_1 = vector.load %arg2[%get3A, %get3A_0] : memref<366x128xf32, #tpu.memory_space<vmem>>, vector<366x128xf32>
    %convert_element_type3A = arith.truncf %get3A_1 : vector<366x128xf32> to vector<366x128xbf16>
    %convert_element_type3A_2 = arith.extf %convert_element_type3A : vector<366x128xbf16> to vector<366x128xf32>
    %sub3A = arith.subf %get3A_1, %convert_element_type3A_2 : vector<366x128xf32>
    %convert_element_type3A_3 = arith.truncf %sub3A : vector<366x128xf32> to vector<366x128xbf16>
    %get3A_4 = arith.constant 0 : index
    %get3A_5 = arith.constant 0 : index
    %get3A_6 = vector.load %arg1[%get3A_4, %get3A_5] : memref<512x5xi32, #tpu.memory_space<vmem>>, vector<512x1xi32>
    %get3A_7 = vector.shape_cast %get3A_6 : vector<512x1xi32> to vector<512xi32>
    %iota3A = tpu.iota {dimensions = array<i32: 1>} : vector<512x366xi32>
    %broadcast_in_dim3A = vector.shape_cast %get3A_7 : vector<512xi32> to vector<512x1xi32>
    %eq3A = vector.broadcast %broadcast_in_dim3A : vector<512x1xi32> to vector<512x366xi32>
    %eq3A_8 = arith.cmpi eq, %iota3A, %eq3A : vector<512x366xi32>
    %convert_element_type3A_9 = arith.extui %eq3A_8 : vector<512x366xi1> to vector<512x366xi32>
    %convert_element_type3A_10 = arith.sitofp %convert_element_type3A_9 : vector<512x366xi32> to vector<512x366xf32>
    %convert_element_type3A_11 = arith.truncf %convert_element_type3A_10 : vector<512x366xf32> to vector<512x366xbf16>
    %dot_general3A = arith.constant dense<0.000000e+00> : vector<512x128xf32>
    %dot_general3A_12 = tpu.matmul %convert_element_type3A_11, %convert_element_type3A, %dot_general3A {dimension_numbers = #tpu.dot_dimension_numbers<[1], [0], [0], [1], [0, 0, 1, 1], [], []>, transpose_lhs_hint = false} : vector<512x366xbf16>, vector<366x128xbf16>, vector<512x128xf32> -> vector<512x128xf32>
    %dot_general3A_13 = arith.constant dense<0.000000e+00> : vector<512x128xf32>
    %dot_general3A_14 = tpu.matmul %convert_element_type3A_11, %convert_element_type3A_3, %dot_general3A_13 {dimension_numbers = #tpu.dot_dimension_numbers<[1], [0], [0], [1], [0, 0, 1, 1], [], []>, transpose_lhs_hint = false} : vector<512x366xbf16>, vector<366x128xbf16>, vector<512x128xf32> -> vector<512x128xf32>
    %add3A = arith.addf %dot_general3A_12, %dot_general3A_14 : vector<512x128xf32>
    %swap3A = arith.constant 0 : index
    %swap3A_15 = arith.constant 0 : index
    %swap3A_16 = arith.constant 0 : index
    %swap3A_17 = vector.load %arg3[%swap3A, %swap3A_15, %swap3A_16] : memref<512x5x128xf32, #tpu.memory_space<vmem>>, vector<512x1x128xf32>
    %swap3A_18 = vector.shape_cast %swap3A_17 : vector<512x1x128xf32> to vector<512x128xf32>
    %swap3A_19 = vector.shape_cast %add3A : vector<512x128xf32> to vector<512x1x128xf32>
    tpu.vector_store %arg3[%swap3A, %swap3A_15, %swap3A_16], %swap3A_19 {strides = array<i32>} : memref<512x5x128xf32, #tpu.memory_space<vmem>>, vector<512x1x128xf32>,
    %get3A_20 = arith.constant 0 : index
    %get3A_21 = arith.constant 1 : index
    %get3A_22 = vector.load %arg1[%get3A_20, %get3A_21] : memref<512x5xi32, #tpu.memory_space<vmem>>, vector<512x1xi32>
    %get3A_23 = vector.shape_cast %get3A_22 : vector<512x1xi32> to vector<512xi32>
    %iota3A_24 = tpu.iota {dimensions = array<i32: 1>} : vector<512x366xi32>
    %broadcast_in_dim3A_25 = vector.shape_cast %get3A_23 : vector<512xi32> to vector<512x1xi32>
    %eq3A_26 = vector.broadcast %broadcast_in_dim3A_25 : vector<512x1xi32> to vector<512x366xi32>
    %eq3A_27 = arith.cmpi eq, %iota3A_24, %eq3A_26 : vector<512x366xi32>
    %convert_element_type3A_28 = arith.extui %eq3A_27 : vector<512x366xi1> to vector<512x366xi32>
    %convert_element_type3A_29 = arith.sitofp %convert_element_type3A_28 : vector<512x366xi32> to vector<512x366xf32>
    %convert_element_type3A_30 = arith.truncf %convert_element_type3A_29 : vector<512x366xf32> to vector<512x366xbf16>
    %dot_general3A_31 = arith.constant dense<0.000000e+00> : vector<512x128xf32>
    %dot_general3A_32 = tpu.matmul %convert_element_type3A_30, %convert_element_type3A, %dot_general3A_31 {dimension_numbers = #tpu.dot_dimension_numbers<[1], [0], [0], [1], [0, 0, 1, 1], [], []>, transpose_lhs_hint = false} : vector<512x366xbf16>, vector<366x128xbf16>, vector<512x128xf32> -> vector<512x128xf32>
    %dot_general3A_33 = arith.constant dense<0.000000e+00> : vector<512x128xf32>
    %dot_general3A_34 = tpu.matmul %convert_element_type3A_30, %convert_element_type3A_3, %dot_general3A_33 {dimension_numbers = #tpu.dot_dimension_numbers<[1], [0], [0], [1], [0, 0, 1, 1], [], []>, transpose_lhs_hint = false} : vector<512x366xbf16>, vector<366x128xbf16>, vector<512x128xf32> -> vector<512x128xf32>
    %add3A_35 = arith.addf %dot_general3A_32, %dot_general3A_34 : vector<512x128xf32>
    %swap3A_36 = arith.constant 0 : index
    %swap3A_37 = arith.constant 1 : index
    %swap3A_38 = arith.constant 0 : index
    %swap3A_39 = vector.load %arg3[%swap3A_36, %swap3A_37, %swap3A_38] : memref<512x5x128xf32, #tpu.memory_space<vmem>>, vector<512x1x128xf32>
    %swap3A_40 = vector.shape_cast %swap3A_39 : vector<512x1x128xf32> to vector<512x128xf32>
    %swap3A_41 = vector.shape_cast %add3A_35 : vector<512x128xf32> to vector<512x1x128xf32>
    tpu.vector_store %arg3[%swap3A_36, %swap3A_37, %swap3A_38], %swap3A_41 {strides = array<i32>} : memref<512x5x128xf32, #tpu.memory_space<vmem>>, vector<512x1x128xf32>,
    %get3A_42 = arith.constant 0 : index
    %get3A_43 = arith.constant 2 : index
    %get3A_44 = vector.load %arg1[%get3A_42, %get3A_43] : memref<512x5xi32, #tpu.memory_space<vmem>>, vector<512x1xi32>
    %get3A_45 = vector.shape_cast %get3A_44 : vector<512x1xi32> to vector<512xi32>
    %iota3A_46 = tpu.iota {dimensions = array<i32: 1>} : vector<512x366xi32>
    %broadcast_in_dim3A_47 = vector.shape_cast %get3A_45 : vector<512xi32> to vector<512x1xi32>
    %eq3A_48 = vector.broadcast %broadcast_in_dim3A_47 : vector<512x1xi32> to vector<512x366xi32>
    %eq3A_49 = arith.cmpi eq, %iota3A_46, %eq3A_48 : vector<512x366xi32>
    %convert_element_type3A_50 = arith.extui %eq3A_49 : vector<512x366xi1> to vector<512x366xi32>
    %convert_element_type3A_51 = arith.sitofp %convert_element_type3A_50 : vector<512x366xi32> to vector<512x366xf32>
    %convert_element_type3A_52 = arith.truncf %convert_element_type3A_51 : vector<512x366xf32> to vector<512x366xbf16>
    %dot_general3A_53 = arith.constant dense<0.000000e+00> : vector<512x128xf32>
    %dot_general3A_54 = tpu.matmul %convert_element_type3A_52, %convert_element_type3A, %dot_general3A_53 {dimension_numbers = #tpu.dot_dimension_numbers<[1], [0], [0], [1], [0, 0, 1, 1], [], []>, transpose_lhs_hint = false} : vector<512x366xbf16>, vector<366x128xbf16>, vector<512x128xf32> -> vector<512x128xf32>
    %dot_general3A_55 = arith.constant dense<0.000000e+00> : vector<512x128xf32>
    %dot_general3A_56 = tpu.matmul %convert_element_type3A_52, %convert_element_type3A_3, %dot_general3A_55 {dimension_numbers = #tpu.dot_dimension_numbers<[1], [0], [0], [1], [0, 0, 1, 1], [], []>, transpose_lhs_hint = false} : vector<512x366xbf16>, vector<366x128xbf16>, vector<512x128xf32> -> vector<512x128xf32>
    %add3A_57 = arith.addf %dot_general3A_54, %dot_general3A_56 : vector<512x128xf32>
    %swap3A_58 = arith.constant 0 : index
    %swap3A_59 = arith.constant 2 : index
    %swap3A_60 = arith.constant 0 : index
    %swap3A_61 = vector.load %arg3[%swap3A_58, %swap3A_59, %swap3A_60] : memref<512x5x128xf32, #tpu.memory_space<vmem>>, vector<512x1x128xf32>
    %swap3A_62 = vector.shape_cast %swap3A_61 : vector<512x1x128xf32> to vector<512x128xf32>
    %swap3A_63 = vector.shape_cast %add3A_57 : vector<512x128xf32> to vector<512x1x128xf32>
    tpu.vector_store %arg3[%swap3A_58, %swap3A_59, %swap3A_60], %swap3A_63 {strides = array<i32>} : memref<512x5x128xf32, #tpu.memory_space<vmem>>, vector<512x1x128xf32>,
    %get3A_64 = arith.constant 0 : index
    %get3A_65 = arith.constant 3 : index
    %get3A_66 = vector.load %arg1[%get3A_64, %get3A_65] : memref<512x5xi32, #tpu.memory_space<vmem>>, vector<512x1xi32>
    %get3A_67 = vector.shape_cast %get3A_66 : vector<512x1xi32> to vector<512xi32>
    %iota3A_68 = tpu.iota {dimensions = array<i32: 1>} : vector<512x366xi32>
    %broadcast_in_dim3A_69 = vector.shape_cast %get3A_67 : vector<512xi32> to vector<512x1xi32>
    %eq3A_70 = vector.broadcast %broadcast_in_dim3A_69 : vector<512x1xi32> to vector<512x366xi32>
    %eq3A_71 = arith.cmpi eq, %iota3A_68, %eq3A_70 : vector<512x366xi32>
    %convert_element_type3A_72 = arith.extui %eq3A_71 : vector<512x366xi1> to vector<512x366xi32>
    %convert_element_type3A_73 = arith.sitofp %convert_element_type3A_72 : vector<512x366xi32> to vector<512x366xf32>
    %convert_element_type3A_74 = arith.truncf %convert_element_type3A_73 : vector<512x366xf32> to vector<512x366xbf16>
    %dot_general3A_75 = arith.constant dense<0.000000e+00> : vector<512x128xf32>
    %dot_general3A_76 = tpu.matmul %convert_element_type3A_74, %convert_element_type3A, %dot_general3A_75 {dimension_numbers = #tpu.dot_dimension_numbers<[1], [0], [0], [1], [0, 0, 1, 1], [], []>, transpose_lhs_hint = false} : vector<512x366xbf16>, vector<366x128xbf16>, vector<512x128xf32> -> vector<512x128xf32>
    %dot_general3A_77 = arith.constant dense<0.000000e+00> : vector<512x128xf32>
    %dot_general3A_78 = tpu.matmul %convert_element_type3A_74, %convert_element_type3A_3, %dot_general3A_77 {dimension_numbers = #tpu.dot_dimension_numbers<[1], [0], [0], [1], [0, 0, 1, 1], [], []>, transpose_lhs_hint = false} : vector<512x366xbf16>, vector<366x128xbf16>, vector<512x128xf32> -> vector<512x128xf32>
    %add3A_79 = arith.addf %dot_general3A_76, %dot_general3A_78 : vector<512x128xf32>
    %swap3A_80 = arith.constant 0 : index
    %swap3A_81 = arith.constant 3 : index
    %swap3A_82 = arith.constant 0 : index
    %swap3A_83 = vector.load %arg3[%swap3A_80, %swap3A_81, %swap3A_82] : memref<512x5x128xf32, #tpu.memory_space<vmem>>, vector<512x1x128xf32>
    %swap3A_84 = vector.shape_cast %swap3A_83 : vector<512x1x128xf32> to vector<512x128xf32>
    %swap3A_85 = vector.shape_cast %add3A_79 : vector<512x128xf32> to vector<512x1x128xf32>
    tpu.vector_store %arg3[%swap3A_80, %swap3A_81, %swap3A_82], %swap3A_85 {strides = array<i32>} : memref<512x5x128xf32, #tpu.memory_space<vmem>>, vector<512x1x128xf32>,
    %get3A_86 = arith.constant 0 : index
    %get3A_87 = arith.constant 4 : index
    %get3A_88 = vector.load %arg1[%get3A_86, %get3A_87] : memref<512x5xi32, #tpu.memory_space<vmem>>, vector<512x1xi32>
    %get3A_89 = vector.shape_cast %get3A_88 : vector<512x1xi32> to vector<512xi32>
    %iota3A_90 = tpu.iota {dimensions = array<i32: 1>} : vector<512x366xi32>
    %broadcast_in_dim3A_91 = vector.shape_cast %get3A_89 : vector<512xi32> to vector<512x1xi32>
    %eq3A_92 = vector.broadcast %broadcast_in_dim3A_91 : vector<512x1xi32> to vector<512x366xi32>
    %eq3A_93 = arith.cmpi eq, %iota3A_90, %eq3A_92 : vector<512x366xi32>
    %convert_element_type3A_94 = arith.extui %eq3A_93 : vector<512x366xi1> to vector<512x366xi32>
    %convert_element_type3A_95 = arith.sitofp %convert_element_type3A_94 : vector<512x366xi32> to vector<512x366xf32>
    %convert_element_type3A_96 = arith.truncf %convert_element_type3A_95 : vector<512x366xf32> to vector<512x366xbf16>
    %dot_general3A_97 = arith.constant dense<0.000000e+00> : vector<512x128xf32>
    %dot_general3A_98 = tpu.matmul %convert_element_type3A_96, %convert_element_type3A, %dot_general3A_97 {dimension_numbers = #tpu.dot_dimension_numbers<[1], [0], [0], [1], [0, 0, 1, 1], [], []>, transpose_lhs_hint = false} : vector<512x366xbf16>, vector<366x128xbf16>, vector<512x128xf32> -> vector<512x128xf32>
    %dot_general3A_99 = arith.constant dense<0.000000e+00> : vector<512x128xf32>
    %dot_general3A_100 = tpu.matmul %convert_element_type3A_96, %convert_element_type3A_3, %dot_general3A_99 {dimension_numbers = #tpu.dot_dimension_numbers<[1], [0], [0], [1], [0, 0, 1, 1], [], []>, transpose_lhs_hint = false} : vector<512x366xbf16>, vector<366x128xbf16>, vector<512x128xf32> -> vector<512x128xf32>
    %add3A_101 = arith.addf %dot_general3A_98, %dot_general3A_100 : vector<512x128xf32>
    %swap3A_102 = arith.constant 0 : index
    %swap3A_103 = arith.constant 4 : index
    %swap3A_104 = arith.constant 0 : index
    %swap3A_105 = vector.load %arg3[%swap3A_102, %swap3A_103, %swap3A_104] : memref<512x5x128xf32, #tpu.memory_space<vmem>>, vector<512x1x128xf32>
    %swap3A_106 = vector.shape_cast %swap3A_105 : vector<512x1x128xf32> to vector<512x128xf32>
    %swap3A_107 = vector.shape_cast %add3A_101 : vector<512x128xf32> to vector<512x1x128xf32>
    tpu.vector_store %arg3[%swap3A_102, %swap3A_103, %swap3A_104], %swap3A_107 {strides = array<i32>} : memref<512x5x128xf32, #tpu.memory_space<vmem>>, vector<512x1x128xf32>,
    return
  }
  func.func @transform_0(%arg0: i32) -> (i32, i32) {
    %c0_i32 = arith.constant 0 : i32
    %c0_i32_0 = arith.constant 0 : i32
    return %arg0, %c0_i32 : i32, i32
  }
  func.func @transform_1(%arg0: i32) -> (i32, i32) {
    %c0_i32 = arith.constant 0 : i32
    %c0_i32_0 = arith.constant 0 : i32
    %c0_i32_1 = arith.constant 0 : i32
    return %c0_i32, %c0_i32_0 : i32, i32
  }
  func.func @transform_2(%arg0: i32) -> (i32, i32, i32) {
    %c0_i32 = arith.constant 0 : i32
    %c0_i32_0 = arith.constant 0 : i32
    %c0_i32_1 = arith.constant 0 : i32
    return %arg0, %c0_i32, %c0_i32_0 : i32, i32, i32
  }
}

</mosaic_0001>

<sc_bundles>
// kernel: kernel.4.cloned.1.call-start
scs
__scs_entry_jumppad:
0x0: {  	(pc) =	sbr.rel $0x88, $3  }
0x1: {  	(tag) =	ssettag $0x0;
	lr =	simm.s32 $0x1  }
0x2: {  	[smem:$0x3F9D] =	sst lr;
	_ =	strace $0xD0000000  }
0x3: {  	_ = 	snop  }
0x4: {  	_ = 	snop  }
0x5: {  	_ = 	snop  }
0x6: {  	_ = 	snop  }
0x7: {  	_ = 	snop  }
__scs_overlays_trampoline_lowered:
0x8: {  	[smem:$0x3FAC] =	sst s0  }
0x9: {  	[smem:$0x3FAD] =	sst s1  }
0xa: {  	[smem:$0x3FAE] =	sst s2  }
0xb: {  	[smem:$0x3FAF] =	sst s3  }
0xc: {  	[smem:$0x3FB0] =	sst s4  }
0xd: {  	[smem:$0x3FB1] =	sst s5  }
0xe: {  	[smem:$0x3FB2] =	sst s6  }
0xf: {  	[smem:$0x3FB3] =	sst s7  }
0x10: {  	[smem:$0x3FB4] =	sst s8  }
0x11: {  	[smem:$0x3FB5] =	sst s9;
	s0 =	simm.s32 @!p0 $0x0  }
0x12: {  	s1 =	sld [smem:$0x3F9B];
	s0 =	simm.s32 @p0 $0x1  }
0x13: {  	[smem:$0x3FB6] =	sst s0;
	s0 =	simm.s32 @!p1 $0x0  }
0x14: {  	s2 =	sld [smem:$0x3F9A];
	s0 =	simm.s32 @p1 $0x1  }
0x15: {  	[smem:$0x3FB7] =	sst s0;
	s0 =	simm.s32 @!p2 $0x0  }
0x16: {  	s3 =	sld [smem:$0x3FDB];
	s0 =	simm.s32 @p2 $0x1  }
0x17: {  	s4 =	simm.s32 $0x1BF5;
	[smem:$0x3FB9] =	sst s0  }
0x18: {  	s0 =	sld [smem:$0x3F9C];
	_ =	swait.ge [sflag:s4], $0x0  }
0x19: {  	s7 =	sld [smem:$0x3F9D]  }
0x1a: {  	s8 =	sadd.s32 $0xFFFFE003, lr  }
0x1b: {  	s9 =	sadd.s32 $0xFFFFFEF7, lr;
	s5 =	simm.s32 $0xFFFFFFFF;
	p2 =	slt.u32 s8, $0xFFFFF086  }
0x1c: {  	p1 =	slt.u32 s9, $0xF7A;
	s5 =	simm.s32 @!p2 $0x0  }
0x1d: {  	s5 =	simm.s32 @p1 $0x1;
	p0 =	seq.s32 s7, s2  }
0x1e: {  	s7 =	smul.u32 @!p0 $0xF7A, s2;
	p2 =	seq.s32 @!p0 s5, $0x0  }
0x1f: {  	s9 =	smul.u32 $0xF7A, s1;
	s8 =	simm.s32 @!p0 $0x1BF5;
	p2 =	por !p2, p0  }
0x20: {  	[sflag:s8] =	ssyncset.s32 @!p0 $0xFFFFF086;
	s6 =	sadd.s32 @!p0 s3, s7;
	s7 =	simm.s32 @!p0 $0x108  }
0x21: {  	s3 =	sadd.s32 s3, s9;
	s6 =	sadd.s32 @!p0 $0x88, s6;
	s7 =	simm.s32 @p2 $0x1082  }
0x22: {  	[simem:s7], [sflag:s8] =	dma.local @!p0 [hbm:s6], $0xF7A  }
0x23: {  	s9 =	sor.u32 $0xD0000000, s2;
	s6 =	simm.s32 $0x108;
	_ =	swait.ge @!p0 [sflag:s8], $0x0  }
0x24: {  	s3 =	sadd.s32 $0x88, s3;
	s6 =	simm.s32 @!p1 $0x1082;
	[sflag:s4] =	ssyncset.s32 $0xFFFFF086  }
0x25: {  	[simem:s6], [sflag:s4] =	dma.local [hbm:s3], $0xF7A  }
0x26: {  	[smem:$0x3F9D] =	sst s1;
	(tag) =	ssettag s2;
	_ =	strace s9  }
0x27: {  	s1 =	sld [smem:$0x3FAD]  }
0x28: {  	s2 =	sld [smem:$0x3FAE]  }
0x29: {  	s4 =	sld [smem:$0x3FB0]  }
0x2a: {  	p0 =	seq.s32 s5, $0x0;
	s5 =	sld [smem:$0x3FB1]  }
0x2b: {  	s6 =	sld [smem:$0x3FB2]  }
0x2c: {  	s7 =	sld [smem:$0x3FB3]  }
0x2d: {  	s3 =	simm.s32 $0x108;
	s8 =	sld [smem:$0x3FB4]  }
0x2e: {  	s3 =	simm.s32 @!p0 $0x1082;
	s9 =	sld [smem:$0x3FB5]  }
0x2f: {  	lr =	sadd.s32 s0, s3;
	s0 =	sld [smem:$0x3FAC]  }
0x30: {  	s3 =	sld [smem:$0x3FAF]  }
0x31: {  	[smem:$0x3FB8] =	sst s10  }
0x32: {  	s10 =	sld [smem:$0x3FB6];
	_ =	sdelay $0x3  }
0x33: {  	p0 =	seq.s32 s10, $0x1;
	s10 =	sld [smem:$0x3FB8];
	_ =	sdelay $0x3  }
0x34: {  	[smem:$0x3FB8] =	sst s10  }
0x35: {  	s10 =	sld [smem:$0x3FB7];
	_ =	sdelay $0x3  }
0x36: {  	p1 =	seq.s32 s10, $0x1;
	s10 =	sld [smem:$0x3FB8];
	_ =	sdelay $0x3  }
0x37: {  	[smem:$0x3FB8] =	sst s10  }
0x38: {  	s10 =	sld [smem:$0x3FB9]  }
0x39: {  	_ = 	snop;
	(pc) =	sbr.ind lr, $3  }
0x3a: {  	_ = 	snop  }
0x3b: {  	_ = 	snop  }
0x3c: {  	p2 =	seq.s32 s10, $0x1;
	s10 =	sld [smem:$0x3FB8]  }
0x3d: {  	_ =	shalt  }
0x3e: {  	_ =	shalt  }
0x3f: {  	_ =	shalt  }
0x40: {  	_ =	shalt  }
0x41: {  	_ =	shalt  }
0x42: {  	_ =	shalt  }
0x43: {  	_ =	shalt  }
0x44: {  	_ =	shalt  }
0x45: {  	_ =	shalt  }
0x46: {  	_ =	shalt  }
0x47: {  	_ =	shalt  }
0x48: {  	_ =	shalt  }
0x49: {  	_ =	shalt  }
0x4a: {  	_ =	shalt  }
0x4b: {  	_ =	shalt  }
0x4c: {  	_ =	shalt  }
0x4d: {  	_ =	shalt  }
0x4e: {  	_ =	shalt  }
0x4f: {  	_ =	shalt  }
0x50: {  	_ =	shalt  }
0x51: {  	_ =	shalt  }
0x52: {  	_ =	shalt  }
0x53: {  	_ =	shalt  }
0x54: {  	_ =	shalt  }
0x55: {  	_ =	shalt  }
0x56: {  	_ =	shalt  }
0x57: {  	_ =	shalt  }
0x58: {  	_ =	shalt  }
0x59: {  	_ =	shalt  }
0x5a: {  	_ =	shalt  }
0x5b: {  	_ =	shalt  }
0x5c: {  	_ =	shalt  }
0x5d: {  	_ =	shalt  }
0x5e: {  	_ =	shalt  }
0x5f: {  	_ =	shalt  }
0x60: {  	_ =	shalt  }
0x61: {  	_ =	shalt  }
0x62: {  	_ =	shalt  }
0x63: {  	_ =	shalt  }
0x64: {  	_ =	shalt  }
0x65: {  	_ =	shalt  }
0x66: {  	_ =	shalt  }
0x67: {  	_ =	shalt  }
0x68: {  	_ =	shalt  }
0x69: {  	_ =	shalt  }
0x6a: {  	_ =	shalt  }
0x6b: {  	_ =	shalt  }
0x6c: {  	_ =	shalt  }
0x6d: {  	_ =	shalt  }
0x6e: {  	_ =	shalt  }
0x6f: {  	_ =	shalt  }
0x70: {  	_ =	shalt  }
0x71: {  	_ =	shalt  }
0x72: {  	_ =	shalt  }
0x73: {  	_ =	shalt  }
0x74: {  	_ =	shalt  }
0x75: {  	_ =	shalt  }
0x76: {  	_ =	shalt  }
0x77: {  	_ =	shalt  }
0x78: {  	_ =	shalt  }
0x79: {  	_ =	shalt  }
0x7a: {  	_ =	shalt  }
0x7b: {  	_ =	shalt  }
0x7c: {  	_ =	shalt  }
0x7d: {  	_ =	shalt  }
0x7e: {  	_ =	shalt  }
0x7f: {  	_ =	shalt  }
0x80: {  	_ =	shalt  }
0x81: {  	_ =	shalt  }
0x82: {  	_ =	shalt  }
0x83: {  	_ =	shalt  }
0x84: {  	_ =	shalt  }
0x85: {  	_ =	shalt  }
0x86: {  	_ =	shalt  }
0x87: {  	_ =	shalt  }
.Lfunc_end0:
.L_simem_size_0:
called_computation_lowered:
.L_overlay_start_0:
0x88: {  	s2 =	sld [smem:$0x3FD9]  }
0x89: {  	s3 =	sld [smem:$0x3FFE];
	_ =	sdelay $0x1  }
0x8a: {  	s1 =	srdreg.scid  }
0x8b: {  	s0 =	sand.u32 $0x1, s1  }
0x8c: {  	s14 =	sshll.u32 s0, $0xA;
	s2 =	sadd.s32 s3, s2  }
0x8d: {  	s2 =	sadd.s32 s2, s14  }
0x8e: {  	[smem:$0x3FC4] =	sst s2  }
0x8f: {  	_ = 	snop  }
0x90: {  	s2 =	sld [smem:$0x3FD0];
	_ =	sdelay $0x2  }
0x91: {  	s4 =	simm.s32 $0xA;
	s5 =	simm.s32 $0x10;
	s15 =	sld [smem:$0x3FC7]  }
0x92: {  	[smem:s5], [sflag:s4] =	dma.local [hbm:s2], $0x1  }
0x93: {  	_ =	swait.eq [sflag:s4], $0x1  }
0x94: {  	[sflag:s4] =	ssyncset.done $0x0  }
0x95: {  	[sflag:s4] =	ssyncadd.s32 $0xFFFFFFFF  }
0x96: {  	s16 =	sld [smem:$0x10];
	(tm) =	ssettm $0x1  }
0x97: {  	s17 =	sld [smem:$0x3FFB];
	_ =	sdelay $0x3  }
0x98: {  	_ =	strace s17  }
0x99: {  	s4 =	sld [smem:$0x3FFC];
	_ =	sdelay $0x3  }
0x9a: {  	_ =	strace s4  }
0x9b: {  	s4 =	sld [smem:$0x3FFD];
	_ =	sdelay $0x3  }
0x9c: {  	_ =	strace s4  }
0x9d: {  	_ =	strace $0x8FFFFFFF  }
0x9e: {  	s18 =	sld [smem:$0x3FDB];
	_ =	sdelay $0x1  }
0x9f: {  	s19 =	simm.s32 $_scs_section_size  }
0xa0: {  	s6 =	simm.s32 $_size__tile_overlayer_lowered;
	s7 =	simm.s32 $_tile_overlayer_lowered  }
0xa1: {  	s22 =	simm.s32 $0x1BFF;
	s21 =	sshll.u32 s7, $0x1;
	s4 =	sadd.s32 s19, s18  }
0xa2: {  	s8 =	simm.s32 $0x0;
	s20 =	sshll.u32 s6, $0x1;
	s6 =	sadd.s32 s21, s4  }
0xa3: {  	[timem:s8], [sflag:s22] =	dma.local [hbm:s6], s20  }
0xa4: {  	_ =	swait.ge [sflag:s22], s20  }
0xa5: {  	s5 =	ssub.s32 $0x0, s20;
	[sflag:s22] =	ssyncset.done $0x0  }
0xa6: {  	[sflag:s22] =	ssyncadd.s32 s5;
	_ =	sdelay $0x1  }
0xa7: {  	s23 =	simm.s32 $0x1B8B  }
0xa8: {  	_ =	swait.ge [sflag:s23], $0x1  }
0xa9: {  	[sflag:s23] =	ssyncset.done $0x0  }
0xaa: {  	s25 =	simm.s32 $0x1B8E;
	s24 =	sld [smem:$0x3FFE];
	[sflag:s23] =	ssyncadd.s32 $0xFFFFFFFF  }
0xab: {  	s26 =	simm.s32 $execute0_lowered;
	[smem:$0x3FD2] =	sst s25  }
0xac: {  	s6 =	sshll.u32 s26, $0x1;
	_ =	strace $0x80000046;
	[dreg:$0x1] =	wrdreg $0xFFFFFFFF  }
0xad: {  	s28 =	simm.s32 $_size_execute0_lowered;
	s4 =	sadd.s32 s4, s6;
	[dreg:$0x0] =	wrdreg $0x0  }
0xae: {  	s6 =	sshll.u32 s28, $0x1;
	[dreg:$0x2] =	wrdreg s4  }
0xaf: {  	[dreg:$0x3] =	wrdreg s6  }
0xb0: {  	[dreg:$0x4] =	wrdreg $0xC0  }
0xb1: {  	_ =	task [dreg:s8], $0x5FFFF  }
0xb2: {  	[dreg:$0x1] =	wrdreg $0xFFFFFFFF  }
0xb3: {  	[dreg:$0x0] =	wrdreg $0x60  }
0xb4: {  	[dreg:$0x2] =	wrdreg s15  }
0xb5: {  	[dreg:$0x3] =	wrdreg s24  }
0xb6: {  	[dreg:$0x4] =	wrdreg s16  }
0xb7: {  	[dreg:$0x5] =	wrdreg $0x9  }
0xb8: {  	_ =	task.clear_ibuf [dreg:s8], $0x6FFFF;
	_ =	strace $0x90000046  }
0xb9: {  	s29 =	simm.s32 $0x9;
	_ =	strace $0x80000048  }
0xba: {  	_ =	swait.ge [sflag:s29], $0x1  }
0xbb: {  	[sflag:s29] =	ssyncadd.s32 $0xFFFFFFFF  }
0xbc: {  	_ =	strace $0x90000048  }
0xbd: {  	_ =	sfence  }
0xbe: {  	s30 =	sld [smem:$0x0];
	_ =	sdelay $0x2  }
0xbf: {  	s31 =	sshll.u32 s1, $0xD;
	s1 =	sshrl.u32 s1, $0x2  }
0xc0: {  	s3 =	sand.u32 $0x4000, s31;
	s1 =	sadd.s32 s1, s30  }
0xc1: {  	s0 =	sor.u32 s3, s0;
	s1 =	sshll.u32 s1, $0x11  }
0xc2: {  	s0 =	sor.u32 s1, s0  }
0xc3: {  	s0 =	sadd.s32 $0x8F2B, s0  }
0xc4: {  	[sflag:s0] =	ssyncadd.remote.s32 $0x1  }
0xc5: {  	_ =	sfence.sel $0xFFFF  }
0xc6: {  	[dreg:$0x0] =	wrdreg $0xFFFFFFFF;
	(pc) =	sbr.abs _section_cstart, $3  }
0xc7: {  	[dreg:$0x1] =	wrdreg $0xFFFFFFFF  }
0xc8: {  	_ =	task.clear_ibuf [dreg:s8], $0x2FFFF;
	_ =	strace $0x9FFFFFFF  }
0xc9: {  	(tm) =	ssettm $0x7FFFFFFF  }
tec
execute0_lowered:
.L_overlay_start_1:
0x0: {  	(tag) =	ssettag $0x1  }
0x1: {  	s1 =	srdreg.scid;
	s0 =	stileid.u32  }
0x2: {  	s2 =	rddreg [dreg:$0x0];
	s6 =	sand.u32 $0x1, s1;
	s30 =	sshll.u32 s0, $0x1  }
0x3: {  	s4 =	rddreg [dreg:$0x1];
	s9 =	sor.u32 s6, s30  }
0x4: {  	s10 =	rddreg [dreg:$0x2];
	s3 =	simm.s32 $0x0;
	s5 =	smul.u32 $0x28, s9  }
0x5: {  	[smem:$0x7FF] =	sst s3  }
0x6: {  	s1 =	rddreg [dreg:$0x3];
	_ =	strace $0x80000047;
	s4 =	sadd.s32 s5, s4  }
0x7: {  	s11 =	ssub.s32 $0x2, s6;
	s5 =	sadd.s32 $0x800, s4;
	s4 =	simm.s32 $0x2  }
0x8: {  	[tilespmem:s3], [sflag:$0x2] =	stream.linear.gather [hbm4b:s5+s3], $0x140, $0x38;
	[tilespmem:$0xA180] =	vst v63  }
0x9: {  	s7 =	simm.s32 $0x180;
	s12 =	sshrl.u32 s11, $0x1;
	_ =	swait.ge [sflag:s4], $0x140  }
0xa: {  	s8 =	simm.s32 $0x1;
	s11 =	ssub.s32 s11, s12;
	[sflag:s4] =	ssyncset.done $0x0  }
0xb: {  	s6 =	simm.s32 $0x140;
	s31 =	smax.u32 s11, $0x1;
	[sflag:s4] =	ssyncadd.s32 $0xFFFFFEC0  }
0xc: {  	[tilespmem:s7], [sflag:$0x1] =	stream.indirect.gather [hbm4b:s2+s6], $0x80, s3, s6, $0xb8;
	[tilespmem:$0xA180] =	vst v63  }
0xd: {  	s9 =	smul.u32 $0x1400, s9;
	p0 =	sne.s32 s31, $0x1;
	_ =	swait.ge [sflag:s8], $0xA000  }
.Ltmp0:
0xe: {  	[sflag:s8] =	ssyncset.done $0x0;
	(pc) =	sbr.rel @!p0 .LBB2_2-.Ltmp0, $4  }
0xf: {  	s9 =	sadd.s32 s10, s9;
	[sflag:s8] =	ssyncadd.s32 $0xFFFF6000  }
0x10: {  	[hbm4b:s9+s3] =	stream.linear.scatter [tilespmem:s7], [sflag:$0x2], $0xA000, $0x38;
	[tilespmem:$0xA180] =	vst v63  }
0x11: {  	_ =	swait.ge [sflag:s4], $0xA000  }
0x12: {  	s10 =	sadd.s32 $0xFFFFFFFF, s31;
	[sflag:s4] =	ssyncset.done $0x0  }
.LBB2_1:
0x13: {  	p0 =	sne.s32 s10, $0x1;
	s10 =	sadd.s32 $0xFFFFFFFF, s10;
	[sflag:s4] =	ssyncadd.s32 $0xFFFF6000  }
0x14: {  	[tilespmem:s3], [sflag:$0x2] =	stream.linear.gather [hbm4b:s5+s3], $0x140, $0x38;
	[tilespmem:$0xA180] =	vst v63  }
0x15: {  	_ =	swait.ge [sflag:s4], $0x140  }
0x16: {  	[sflag:s4] =	ssyncset.done $0x0  }
0x17: {  	[sflag:s4] =	ssyncadd.s32 $0xFFFFFEC0  }
0x18: {  	[tilespmem:s7], [sflag:$0x1] =	stream.indirect.gather [hbm4b:s2+s6], $0x80, s3, s6, $0xb8;
	[tilespmem:$0xA180] =	vst v63  }
0x19: {  	_ =	swait.ge [sflag:s8], $0xA000  }
.Ltmp1:
0x1a: {  	[sflag:s8] =	ssyncset.done $0x0;
	(pc) =	sbr.rel @p0 .LBB2_1-.Ltmp1, $4  }
0x1b: {  	[sflag:s8] =	ssyncadd.s32 $0xFFFF6000  }
0x1c: {  	[hbm4b:s9+s3] =	stream.linear.scatter [tilespmem:s7], [sflag:$0x2], $0xA000, $0x38;
	[tilespmem:$0xA180] =	vst v63  }
0x1d: {  	_ =	swait.ge [sflag:s4], $0xA000  }
0x1e: {  	[sflag:s4] =	ssyncset.done $0x0  }
.LBB2_2:
0x1f: {  	[sflag:s4] =	ssyncadd.s32 $0xFFFF6000  }
0x20: {  	_ =	sfence.sel $0x180000  }
0x21: {  	[bflag:$0x0] =	sbarrier.arrive $0xFFFF  }
0x22: {  	p0 =	sne.s32 s0, $0x0;
	_ =	strace $0x90000047  }
0x23: {  	s0 =	sadd.s32 @!p0 $0x100000, s1;
	[bflag:$0x2] =	sbarrier.arrive $0xFFFF  }
0x24: {  	[sflag:s0] =	ssyncadd.tile.s32 @!p0 $0x1;
	_ =	shalt  }
.Lfunc_end2:
_tile_overlayer_lowered:
.L_overlay_start_2:
0x25: {  	(tag) =	ssettag $0x2  }
0x26: {  	s0 =	rddreg [dreg:$0x0];
	s2 =	stileid.u32  }
0x27: {  	s1 =	rddreg [dreg:$0x1];
	p0 =	sne.s32 s2, $0x0  }
0x28: {  	s3 =	rddreg [dreg:$0x2];
	[bflag:$0x3] =	sbarrier.arrive $0xFFFF;
	s2 =	simm.s32 @!p0 $0x1C02  }
0x29: {  	[timem:s3], [sflag:s2] =	dma.local @!p0 [hbm:s0], s1  }
0x2a: {  	s0 =	simm.s32 @!p0 $0x2  }
0x2b: {  	_ =	swait.ge @!p0 [sflag:s0], s1  }
0x2c: {  	s1 =	ssub.s32 @!p0 $0x0, s1;
	[sflag:s0] =	ssyncset.done @!p0 $0x0  }
0x2d: {  	[sflag:s0] =	ssyncadd.s32 @!p0 s1  }
0x2e: {  	[bflag:$0x3] =	sbarrier.arrive $0xFFFF  }
0x2f: {  	_ =	shalt  }

</sc_bundles>
